<compile_context>
chip_gen: v7x
topology: tpu7x:2x2x1
jax: 0.10.2.dev20260603
libtpu: 0.0.44.dev20260713+nightly
codegen_flags: <defaults>
</compile_context>

<pallas_src>
import functools

import jax
import jax.numpy as jnp
from jax import lax
from jax.experimental import pallas as pl
from jax.experimental.pallas import tpu as pltpu
from jax.experimental.pallas import tpu_sc as plsc


def _tc_body(x_ref, cb_ref, x2_ref, e2_ref, idx_ref, flat_ref, *, G, DS, K):
    for g in range(G):
        xg = x_ref[:, g * DS:(g + 1) * DS]
        dots2 = lax.dot_general(
            xg.astype(jnp.bfloat16), cb_ref[g].astype(jnp.bfloat16),
            (((1,), (0,)), ((), ())),
            preferred_element_type=jnp.float32)
        t2 = (x2_ref[:, g:g + 1] - dots2) + e2_ref[g:g + 1, :]
        H = K // 2
        ams = []
        ms = []
        for h in range(2):
            th = t2[:, h * H:(h + 1) * H]
            m = jnp.min(th, axis=1, keepdims=True)
            am = jnp.argmin(th, axis=1).astype(jnp.int32)[:, None] + h * H
            ms.append(m)
            ams.append(am)
        m1r = ms[0].astype(jnp.bfloat16).astype(jnp.float32)
        use2 = ms[1] < m1r
        am = jnp.where(use2, ams[1], ams[0])
        idx_ref[:, g:g + 1] = am
        flat_ref[:, g:g + 1] = am + g * K


def _tc_assign(x, cbT2, x2, e2, *, BN=512, interpret=False):
    N, D = x.shape
    G, DS, K = cbT2.shape
    grid = (N // BN,)
    return pl.pallas_call(
        functools.partial(_tc_body, G=G, DS=DS, K=K),
        grid=grid,
        in_specs=[
            pl.BlockSpec((BN, D), lambda i: (i, 0)),
            pl.BlockSpec((G, DS, K), lambda i: (0, 0, 0)),
            pl.BlockSpec((BN, G), lambda i: (i, 0)),
            pl.BlockSpec((G, K), lambda i: (0, 0)),
        ],
        out_specs=[
            pl.BlockSpec((BN, G), lambda i: (i, 0)),
            pl.BlockSpec((BN, G), lambda i: (i, 0)),
        ],
        out_shape=[
            jax.ShapeDtypeStruct((N, G), jnp.int32),
            jax.ShapeDtypeStruct((N, G), jnp.int32),
        ],
        interpret=interpret,
    )(x, cbT2, x2, e2)


def _sc_gather(table, flat_idx):
    GK, DS = table.shape
    NG = flat_idx.shape[0]
    info = plsc.get_sparse_core_info()
    NW = info.num_cores * info.num_subcores
    NC = info.num_cores
    CH = 128
    b_per_w = NG // NW
    n_ch = b_per_w // CH
    idx2 = flat_idx.reshape(NG // CH, CH)
    mesh = plsc.VectorSubcoreMesh(core_axis_name="c", subcore_axis_name="s")

    @functools.partial(
        pl.kernel, mesh=mesh,
        out_type=jax.ShapeDtypeStruct((NG, DS), jnp.float32),
        scratch_types=[
            pltpu.VMEM((n_ch, CH), jnp.int32),
            pltpu.VMEM((b_per_w, DS), jnp.float32),
            pltpu.SemaphoreType.DMA,
        ],
        compiler_params=pltpu.CompilerParams(use_tc_tiling_on_sc=False),
    )
    def k(table_hbm, idx_hbm, out_hbm, idx_v, rows_v, sem):
        wid = lax.axis_index("s") * NC + lax.axis_index("c")
        pltpu.sync_copy(idx_hbm.at[pl.ds(wid * n_ch, n_ch)], idx_v)
        copies = [
            pltpu.async_copy(
                table_hbm.at[idx_v.at[j]],
                rows_v.at[pl.ds(j * CH, CH)],
                sem,
            )
            for j in range(n_ch)
        ]
        for c in copies:
            c.wait()
        pltpu.sync_copy(rows_v, out_hbm.at[pl.ds(wid * b_per_w, b_per_w)])

    return k(table, idx2)


def kernel(z, codebooks):
    B, T, D = z.shape
    G, K, DS = codebooks.shape
    N = B * T
    x3 = z.reshape(N, G, DS)
    x2 = jnp.sum(x3 * x3, axis=-1)
    e2 = jnp.sum(codebooks * codebooks, axis=-1)
    cbT2 = jnp.swapaxes(codebooks, 1, 2) * 2.0
    idx, flat = _tc_assign(z.reshape(N, D), cbT2, x2, e2)
    zq = _sc_gather(codebooks.reshape(G * K, DS), flat.reshape(N * G))
    return zq.reshape(B, T, D), idx.reshape(B, T, G)

# --- scband reference (transcript-rebuilt; emitter-appended) ---
"""Pipeline reference for scband-product-quantizer-82695300317335 (READ-ONLY COPY).

The authoritative reference and input builder live on the scoring server;
editing this copy changes nothing except your own understanding.
"""

import jax, jax.numpy as jnp
import numpy as np


def setup_inputs(seed: int = 0) -> dict:
    key = jax.random.key(seed)
    k1, k2 = jax.random.split(key)
    z = jax.random.normal(k1, (4, 1024, 256), dtype=jnp.float32)
    # ProductQuantizer: 4 sub-codebooks, each [K=8192, sub_dim=64]
    codebooks = jax.random.normal(k2, (4, 8192, 64), dtype=jnp.float32)
    return {"z": z, "codebooks": codebooks}


def reference(z, codebooks):
    # z: [B, T, D]; codebooks: [G, K, D//G]
    B, T, D = z.shape
    G, K, DS = codebooks.shape
    x = z.reshape(B * T, G, DS)                      # split feature dim into G groups
    # Negative squared Euclidean distance per group (eval path, temp=0 -> argmax)
    x2 = jnp.sum(x * x, axis=-1)                     # [N, G]
    e2 = jnp.sum(codebooks * codebooks, axis=-1)     # [G, K]
    dots = jnp.einsum('ngd,gkd->ngk', x, codebooks)  # [N, G, K]
    dist = -(x2[..., None] - 2.0 * dots + e2[None, :, :])
    embed_idxs = jnp.argmax(dist, axis=-1)           # [N, G]
    # F.embedding per group: gather nearest codes
    zq = codebooks[jnp.arange(G)[None, :], embed_idxs]  # [N, G, DS]
    zq = zq.reshape(B, T, D)
    idx_out = embed_idxs.reshape(B, T, G)
    return zq, idx_out

if __name__ == "__main__":
    import jax
    _d = setup_inputs()
    print(jax.jit(kernel)(*tuple(_d.values())))

</pallas_src>

<mosaic_0001>
#map = affine_map<(d0, d1) -> (0, 0)>
module attributes {stable_mosaic.version = 14 : i64} {
  func.func @k(%arg0: i32, %arg1: i32, %arg2: memref<32768x64xf32, #tpu.memory_space<hbm>>, %arg3: memref<128x128xi32, #tpu.memory_space<hbm>>, %arg4: memref<16384x64xf32, #tpu.memory_space<hbm>>, %arg5: memref<4x128xi32, #tpu.memory_space<vmem>>, %arg6: memref<512x64xf32, #tpu.memory_space<vmem>>, %arg7: memref<!tpu.dma_semaphore, #tpu.memory_space<semaphore_mem>>) attributes {dimension_semantics = [#tpu.dimension_semantics<core_parallel>, #tpu.dimension_semantics<subcore_parallel>], iteration_bounds = array<i64: 2, 16>, scalar_prefetch = 0 : i64, scratch_operands = 3 : i64, tpu.core_type = #tpu.core_type<sc_vector_subcore>, window_params = [{transform_indices = #map}, {transform_indices = #map}, {transform_indices = #map}]} {
    %mul3A = arith.constant 2 : i32
    %mul3A_0 = arith.muli %arg1, %mul3A : i32
    %add3A = arith.addi %mul3A_0, %arg0 : i32
    %mul3A_1 = arith.constant 4 : i32
    %mul3A_2 = arith.muli %add3A, %mul3A_1 : i32
    "tpu.region"() ({
      %run_scoped3A = tpu.sem_alloc : memref<!tpu.dma_semaphore, #tpu.memory_space<semaphore_mem>>
      %dma_start3A_83 = arith.constant 0 : i32
      %dma_start3A_84 = tpu.memref_slice %arg3[%mul3A_2, %dma_start3A_83] : memref<128x128xi32, #tpu.memory_space<hbm>> -> memref<4x128xi32, #tpu.memory_space<hbm>>
      %dma_start3A_85 = arith.constant 0 : i32
      %dma_start3A_86 = tpu.memref_slice %arg3[%mul3A_2, %dma_start3A_85] : memref<128x128xi32, #tpu.memory_space<hbm>> -> memref<4x128xi32, #tpu.memory_space<hbm>>
      tpu.enqueue_dma source(%dma_start3A_86 : memref<4x128xi32, #tpu.memory_space<hbm>>) target(%arg5 : memref<4x128xi32, #tpu.memory_space<vmem>>) target_semaphore(%run_scoped3A : memref<!tpu.dma_semaphore, #tpu.memory_space<semaphore_mem>>)
      %dma_wait3A_87 = arith.constant 0 : i32
      %dma_wait3A_88 = tpu.memref_slice %arg3[%mul3A_2, %dma_wait3A_87] : memref<128x128xi32, #tpu.memory_space<hbm>> -> memref<4x128xi32, #tpu.memory_space<hbm>>
      %dma_wait3A_89 = arith.constant 0 : i32
      %dma_wait3A_90 = tpu.memref_slice %arg3[%mul3A_2, %dma_wait3A_89] : memref<128x128xi32, #tpu.memory_space<hbm>> -> memref<4x128xi32, #tpu.memory_space<hbm>>
      tpu.wait_dma2 semaphore(%run_scoped3A : memref<!tpu.dma_semaphore, #tpu.memory_space<semaphore_mem>>) src(%dma_wait3A_90 : memref<4x128xi32, #tpu.memory_space<hbm>>) dst(%arg5 : memref<4x128xi32, #tpu.memory_space<vmem>>)
      tpu.yield
    }) : () -> ()
    %dma_start3A = arith.constant 0 : i32
    %dma_start3A_3 = arith.constant 0 : i32
    %dma_start3A_4 = arith.constant 0 : i32
    %dma_start3A_5 = tpu.memref_slice %arg6[%dma_start3A_3, %dma_start3A_4] : memref<512x64xf32, #tpu.memory_space<vmem>> -> memref<128x64xf32, #tpu.memory_space<vmem>>
    %dma_start3A_6 = arith.constant 0 : i32
    %dma_start3A_7 = tpu.memref_slice %arg5[%dma_start3A, %dma_start3A_6] : memref<4x128xi32, #tpu.memory_space<vmem>> -> memref<1x128xi32, #tpu.memory_space<vmem>>
    %dma_start3A_8 = tpu.memref_squeeze %dma_start3A_7 : memref<1x128xi32, #tpu.memory_space<vmem>> -> memref<128xi32, #tpu.memory_space<vmem>>
    %dma_start3A_9 = arith.constant 0 : i32
    %dma_start3A_10 = arith.constant 0 : i32
    %dma_start3A_11 = tpu.memref_slice %arg2[%dma_start3A_9, %dma_start3A_10] : memref<32768x64xf32, #tpu.memory_space<hbm>> -> memref<32768x64xf32, #tpu.memory_space<hbm>>
    tpu.enqueue_indirect_dma source(%dma_start3A_11 : memref<32768x64xf32, #tpu.memory_space<hbm>>) target(%dma_start3A_5 : memref<128x64xf32, #tpu.memory_space<vmem>>) offsets(%dma_start3A_8 : memref<128xi32, #tpu.memory_space<vmem>>) semaphore(%arg7 : memref<!tpu.dma_semaphore, #tpu.memory_space<semaphore_mem>>)
    %dma_start3A_12 = arith.constant 1 : i32
    %dma_start3A_13 = arith.constant 128 : i32
    %dma_start3A_14 = arith.constant 0 : i32
    %dma_start3A_15 = tpu.memref_slice %arg6[%dma_start3A_13, %dma_start3A_14] : memref<512x64xf32, #tpu.memory_space<vmem>> -> memref<128x64xf32, #tpu.memory_space<vmem>>
    %dma_start3A_16 = arith.constant 0 : i32
    %dma_start3A_17 = tpu.memref_slice %arg5[%dma_start3A_12, %dma_start3A_16] : memref<4x128xi32, #tpu.memory_space<vmem>> -> memref<1x128xi32, #tpu.memory_space<vmem>>
    %dma_start3A_18 = tpu.memref_squeeze %dma_start3A_17 : memref<1x128xi32, #tpu.memory_space<vmem>> -> memref<128xi32, #tpu.memory_space<vmem>>
    %dma_start3A_19 = arith.constant 0 : i32
    %dma_start3A_20 = arith.constant 0 : i32
    %dma_start3A_21 = tpu.memref_slice %arg2[%dma_start3A_19, %dma_start3A_20] : memref<32768x64xf32, #tpu.memory_space<hbm>> -> memref<32768x64xf32, #tpu.memory_space<hbm>>
    tpu.enqueue_indirect_dma source(%dma_start3A_21 : memref<32768x64xf32, #tpu.memory_space<hbm>>) target(%dma_start3A_15 : memref<128x64xf32, #tpu.memory_space<vmem>>) offsets(%dma_start3A_18 : memref<128xi32, #tpu.memory_space<vmem>>) semaphore(%arg7 : memref<!tpu.dma_semaphore, #tpu.memory_space<semaphore_mem>>)
    %dma_start3A_22 = arith.constant 2 : i32
    %dma_start3A_23 = arith.constant 256 : i32
    %dma_start3A_24 = arith.constant 0 : i32
    %dma_start3A_25 = tpu.memref_slice %arg6[%dma_start3A_23, %dma_start3A_24] : memref<512x64xf32, #tpu.memory_space<vmem>> -> memref<128x64xf32, #tpu.memory_space<vmem>>
    %dma_start3A_26 = arith.constant 0 : i32
    %dma_start3A_27 = tpu.memref_slice %arg5[%dma_start3A_22, %dma_start3A_26] : memref<4x128xi32, #tpu.memory_space<vmem>> -> memref<1x128xi32, #tpu.memory_space<vmem>>
    %dma_start3A_28 = tpu.memref_squeeze %dma_start3A_27 : memref<1x128xi32, #tpu.memory_space<vmem>> -> memref<128xi32, #tpu.memory_space<vmem>>
    %dma_start3A_29 = arith.constant 0 : i32
    %dma_start3A_30 = arith.constant 0 : i32
    %dma_start3A_31 = tpu.memref_slice %arg2[%dma_start3A_29, %dma_start3A_30] : memref<32768x64xf32, #tpu.memory_space<hbm>> -> memref<32768x64xf32, #tpu.memory_space<hbm>>
    tpu.enqueue_indirect_dma source(%dma_start3A_31 : memref<32768x64xf32, #tpu.memory_space<hbm>>) target(%dma_start3A_25 : memref<128x64xf32, #tpu.memory_space<vmem>>) offsets(%dma_start3A_28 : memref<128xi32, #tpu.memory_space<vmem>>) semaphore(%arg7 : memref<!tpu.dma_semaphore, #tpu.memory_space<semaphore_mem>>)
    %dma_start3A_32 = arith.constant 3 : i32
    %dma_start3A_33 = arith.constant 384 : i32
    %dma_start3A_34 = arith.constant 0 : i32
    %dma_start3A_35 = tpu.memref_slice %arg6[%dma_start3A_33, %dma_start3A_34] : memref<512x64xf32, #tpu.memory_space<vmem>> -> memref<128x64xf32, #tpu.memory_space<vmem>>
    %dma_start3A_36 = arith.constant 0 : i32
    %dma_start3A_37 = tpu.memref_slice %arg5[%dma_start3A_32, %dma_start3A_36] : memref<4x128xi32, #tpu.memory_space<vmem>> -> memref<1x128xi32, #tpu.memory_space<vmem>>
    %dma_start3A_38 = tpu.memref_squeeze %dma_start3A_37 : memref<1x128xi32, #tpu.memory_space<vmem>> -> memref<128xi32, #tpu.memory_space<vmem>>
    %dma_start3A_39 = arith.constant 0 : i32
    %dma_start3A_40 = arith.constant 0 : i32
    %dma_start3A_41 = tpu.memref_slice %arg2[%dma_start3A_39, %dma_start3A_40] : memref<32768x64xf32, #tpu.memory_space<hbm>> -> memref<32768x64xf32, #tpu.memory_space<hbm>>
    tpu.enqueue_indirect_dma source(%dma_start3A_41 : memref<32768x64xf32, #tpu.memory_space<hbm>>) target(%dma_start3A_35 : memref<128x64xf32, #tpu.memory_space<vmem>>) offsets(%dma_start3A_38 : memref<128xi32, #tpu.memory_space<vmem>>) semaphore(%arg7 : memref<!tpu.dma_semaphore, #tpu.memory_space<semaphore_mem>>)
    %dma_wait3A = arith.constant 0 : i32
    %dma_wait3A_42 = arith.constant 0 : i32
    %dma_wait3A_43 = arith.constant 0 : i32
    %dma_wait3A_44 = tpu.memref_slice %arg6[%dma_wait3A_42, %dma_wait3A_43] : memref<512x64xf32, #tpu.memory_space<vmem>> -> memref<128x64xf32, #tpu.memory_space<vmem>>
    %dma_wait3A_45 = arith.constant 0 : i32
    %dma_wait3A_46 = tpu.memref_slice %arg5[%dma_wait3A, %dma_wait3A_45] : memref<4x128xi32, #tpu.memory_space<vmem>> -> memref<1x128xi32, #tpu.memory_space<vmem>>
    %dma_wait3A_47 = tpu.memref_squeeze %dma_wait3A_46 : memref<1x128xi32, #tpu.memory_space<vmem>> -> memref<128xi32, #tpu.memory_space<vmem>>
    %dma_wait3A_48 = arith.constant 0 : i32
    %dma_wait3A_49 = arith.constant 0 : i32
    %dma_wait3A_50 = tpu.memref_slice %arg2[%dma_wait3A_48, %dma_wait3A_49] : memref<32768x64xf32, #tpu.memory_space<hbm>> -> memref<32768x64xf32, #tpu.memory_space<hbm>>
    tpu.wait_indirect_dma semaphore(%arg7 : memref<!tpu.dma_semaphore, #tpu.memory_space<semaphore_mem>>) src(%dma_wait3A_50 : memref<32768x64xf32, #tpu.memory_space<hbm>>) dst(%dma_wait3A_44 : memref<128x64xf32, #tpu.memory_space<vmem>>)
    %dma_wait3A_51 = arith.constant 1 : i32
    %dma_wait3A_52 = arith.constant 128 : i32
    %dma_wait3A_53 = arith.constant 0 : i32
    %dma_wait3A_54 = tpu.memref_slice %arg6[%dma_wait3A_52, %dma_wait3A_53] : memref<512x64xf32, #tpu.memory_space<vmem>> -> memref<128x64xf32, #tpu.memory_space<vmem>>
    %dma_wait3A_55 = arith.constant 0 : i32
    %dma_wait3A_56 = tpu.memref_slice %arg5[%dma_wait3A_51, %dma_wait3A_55] : memref<4x128xi32, #tpu.memory_space<vmem>> -> memref<1x128xi32, #tpu.memory_space<vmem>>
    %dma_wait3A_57 = tpu.memref_squeeze %dma_wait3A_56 : memref<1x128xi32, #tpu.memory_space<vmem>> -> memref<128xi32, #tpu.memory_space<vmem>>
    %dma_wait3A_58 = arith.constant 0 : i32
    %dma_wait3A_59 = arith.constant 0 : i32
    %dma_wait3A_60 = tpu.memref_slice %arg2[%dma_wait3A_58, %dma_wait3A_59] : memref<32768x64xf32, #tpu.memory_space<hbm>> -> memref<32768x64xf32, #tpu.memory_space<hbm>>
    tpu.wait_indirect_dma semaphore(%arg7 : memref<!tpu.dma_semaphore, #tpu.memory_space<semaphore_mem>>) src(%dma_wait3A_60 : memref<32768x64xf32, #tpu.memory_space<hbm>>) dst(%dma_wait3A_54 : memref<128x64xf32, #tpu.memory_space<vmem>>)
    %dma_wait3A_61 = arith.constant 2 : i32
    %dma_wait3A_62 = arith.constant 256 : i32
    %dma_wait3A_63 = arith.constant 0 : i32
    %dma_wait3A_64 = tpu.memref_slice %arg6[%dma_wait3A_62, %dma_wait3A_63] : memref<512x64xf32, #tpu.memory_space<vmem>> -> memref<128x64xf32, #tpu.memory_space<vmem>>
    %dma_wait3A_65 = arith.constant 0 : i32
    %dma_wait3A_66 = tpu.memref_slice %arg5[%dma_wait3A_61, %dma_wait3A_65] : memref<4x128xi32, #tpu.memory_space<vmem>> -> memref<1x128xi32, #tpu.memory_space<vmem>>
    %dma_wait3A_67 = tpu.memref_squeeze %dma_wait3A_66 : memref<1x128xi32, #tpu.memory_space<vmem>> -> memref<128xi32, #tpu.memory_space<vmem>>
    %dma_wait3A_68 = arith.constant 0 : i32
    %dma_wait3A_69 = arith.constant 0 : i32
    %dma_wait3A_70 = tpu.memref_slice %arg2[%dma_wait3A_68, %dma_wait3A_69] : memref<32768x64xf32, #tpu.memory_space<hbm>> -> memref<32768x64xf32, #tpu.memory_space<hbm>>
    tpu.wait_indirect_dma semaphore(%arg7 : memref<!tpu.dma_semaphore, #tpu.memory_space<semaphore_mem>>) src(%dma_wait3A_70 : memref<32768x64xf32, #tpu.memory_space<hbm>>) dst(%dma_wait3A_64 : memref<128x64xf32, #tpu.memory_space<vmem>>)
    %dma_wait3A_71 = arith.constant 3 : i32
    %dma_wait3A_72 = arith.constant 384 : i32
    %dma_wait3A_73 = arith.constant 0 : i32
    %dma_wait3A_74 = tpu.memref_slice %arg6[%dma_wait3A_72, %dma_wait3A_73] : memref<512x64xf32, #tpu.memory_space<vmem>> -> memref<128x64xf32, #tpu.memory_space<vmem>>
    %dma_wait3A_75 = arith.constant 0 : i32
    %dma_wait3A_76 = tpu.memref_slice %arg5[%dma_wait3A_71, %dma_wait3A_75] : memref<4x128xi32, #tpu.memory_space<vmem>> -> memref<1x128xi32, #tpu.memory_space<vmem>>
    %dma_wait3A_77 = tpu.memref_squeeze %dma_wait3A_76 : memref<1x128xi32, #tpu.memory_space<vmem>> -> memref<128xi32, #tpu.memory_space<vmem>>
    %dma_wait3A_78 = arith.constant 0 : i32
    %dma_wait3A_79 = arith.constant 0 : i32
    %dma_wait3A_80 = tpu.memref_slice %arg2[%dma_wait3A_78, %dma_wait3A_79] : memref<32768x64xf32, #tpu.memory_space<hbm>> -> memref<32768x64xf32, #tpu.memory_space<hbm>>
    tpu.wait_indirect_dma semaphore(%arg7 : memref<!tpu.dma_semaphore, #tpu.memory_space<semaphore_mem>>) src(%dma_wait3A_80 : memref<32768x64xf32, #tpu.memory_space<hbm>>) dst(%dma_wait3A_74 : memref<128x64xf32, #tpu.memory_space<vmem>>)
    %mul3A_81 = arith.constant 512 : i32
    %mul3A_82 = arith.muli %add3A, %mul3A_81 : i32
    "tpu.region"() ({
      %run_scoped3A = tpu.sem_alloc : memref<!tpu.dma_semaphore, #tpu.memory_space<semaphore_mem>>
      %dma_start3A_83 = arith.constant 0 : i32
      %dma_start3A_84 = tpu.memref_slice %arg4[%mul3A_82, %dma_start3A_83] : memref<16384x64xf32, #tpu.memory_space<hbm>> -> memref<512x64xf32, #tpu.memory_space<hbm>>
      %dma_start3A_85 = arith.constant 0 : i32
      %dma_start3A_86 = tpu.memref_slice %arg4[%mul3A_82, %dma_start3A_85] : memref<16384x64xf32, #tpu.memory_space<hbm>> -> memref<512x64xf32, #tpu.memory_space<hbm>>
      tpu.enqueue_dma source(%arg6 : memref<512x64xf32, #tpu.memory_space<vmem>>) target(%dma_start3A_86 : memref<512x64xf32, #tpu.memory_space<hbm>>) target_semaphore(%run_scoped3A : memref<!tpu.dma_semaphore, #tpu.memory_space<semaphore_mem>>)
      %dma_wait3A_87 = arith.constant 0 : i32
      %dma_wait3A_88 = tpu.memref_slice %arg4[%mul3A_82, %dma_wait3A_87] : memref<16384x64xf32, #tpu.memory_space<hbm>> -> memref<512x64xf32, #tpu.memory_space<hbm>>
      %dma_wait3A_89 = arith.constant 0 : i32
      %dma_wait3A_90 = tpu.memref_slice %arg4[%mul3A_82, %dma_wait3A_89] : memref<16384x64xf32, #tpu.memory_space<hbm>> -> memref<512x64xf32, #tpu.memory_space<hbm>>
      tpu.wait_dma2 semaphore(%run_scoped3A : memref<!tpu.dma_semaphore, #tpu.memory_space<semaphore_mem>>) src(%arg6 : memref<512x64xf32, #tpu.memory_space<vmem>>) dst(%dma_wait3A_90 : memref<512x64xf32, #tpu.memory_space<hbm>>)
      tpu.yield
    }) : () -> ()
    return
  }
}

module attributes {stable_mosaic.version = 14 : i64} {
  func.func @_tc_body(%arg0: i32, %arg1: memref<512x256xf32, #tpu.memory_space<vmem>>, %arg2: memref<4x64x8192xf32, #tpu.memory_space<vmem>>, %arg3: memref<512x4xf32, #tpu.memory_space<vmem>>, %arg4: memref<4x8192xf32, #tpu.memory_space<vmem>>, %arg5: memref<512x4xi32, #tpu.memory_space<vmem>>, %arg6: memref<512x4xi32, #tpu.memory_space<vmem>>) attributes {dimension_semantics = [#tpu.dimension_semantics<arbitrary>], iteration_bounds = array<i64: 8>, scalar_prefetch = 0 : i64, scratch_operands = 0 : i64, tpu.core_type = #tpu.core_type<tc>, window_params = [{transform_indices = @transform_0, window_bounds = array<i64: 512, 256>}, {pipeline_mode = #tpu.pipeline_mode<synchronous>, transform_indices = @transform_1, window_bounds = array<i64: 4, 64, 8192>}, {transform_indices = @transform_2, window_bounds = array<i64: 512, 4>}, {pipeline_mode = #tpu.pipeline_mode<synchronous>, transform_indices = @transform_3, window_bounds = array<i64: 4, 8192>}, {transform_indices = @transform_4, window_bounds = array<i64: 512, 4>}, {transform_indices = @transform_5, window_bounds = array<i64: 512, 4>}]} {
    %get3A = arith.constant 0 : index
    %get3A_0 = arith.constant 0 : index
    %get3A_1 = vector.load %arg1[%get3A, %get3A_0] : memref<512x256xf32, #tpu.memory_space<vmem>>, vector<512x64xf32>
    %convert_element_type3A = arith.truncf %get3A_1 : vector<512x64xf32> to vector<512x64xbf16>
    %get3A_2 = arith.constant 0 : index
    %get3A_3 = arith.constant 0 : index
    %get3A_4 = arith.constant 0 : index
    %get3A_5 = vector.load %arg2[%get3A_2, %get3A_3, %get3A_4] : memref<4x64x8192xf32, #tpu.memory_space<vmem>>, vector<1x64x8192xf32>
    %get3A_6 = vector.shape_cast %get3A_5 : vector<1x64x8192xf32> to vector<64x8192xf32>
    %convert_element_type3A_7 = arith.truncf %get3A_6 : vector<64x8192xf32> to vector<64x8192xbf16>
    %dot_general3A = arith.constant dense<0.000000e+00> : vector<512x8192xf32>
    %dot_general3A_8 = tpu.matmul %convert_element_type3A, %convert_element_type3A_7, %dot_general3A {dimension_numbers = #tpu.dot_dimension_numbers<[1], [0], [0], [1], [0, 0, 1, 1], [], []>, transpose_lhs_hint = false} : vector<512x64xbf16>, vector<64x8192xbf16>, vector<512x8192xf32> -> vector<512x8192xf32>
    %get3A_9 = arith.constant 0 : index
    %get3A_10 = arith.constant 0 : index
    %get3A_11 = vector.load %arg3[%get3A_9, %get3A_10] : memref<512x4xf32, #tpu.memory_space<vmem>>, vector<512x1xf32>
    %sub3A = vector.broadcast %get3A_11 : vector<512x1xf32> to vector<512x8192xf32>
    %sub3A_12 = arith.subf %sub3A, %dot_general3A_8 : vector<512x8192xf32>
    %get3A_13 = arith.constant 0 : index
    %get3A_14 = arith.constant 0 : index
    %get3A_15 = vector.load %arg4[%get3A_13, %get3A_14] : memref<4x8192xf32, #tpu.memory_space<vmem>>, vector<1x8192xf32>
    %add3A = vector.broadcast %get3A_15 : vector<1x8192xf32> to vector<512x8192xf32>
    %add3A_16 = arith.addf %sub3A_12, %add3A : vector<512x8192xf32>
    %slice3A = vector.extract_strided_slice %add3A_16 {offsets = [0, 0], sizes = [512, 4096], strides = [1, 1]} : vector<512x8192xf32> to vector<512x4096xf32>
    %reduce_min3A = arith.constant dense<0x7F800000> : vector<512xf32>
    %reduce_min3A_17 = vector.multi_reduction <minimumf>, %slice3A, %reduce_min3A [1] : vector<512x4096xf32> to vector<512xf32>
    %broadcast_in_dim3A = vector.shape_cast %reduce_min3A_17 : vector<512xf32> to vector<512x1xf32>
    %argmin3A = tpu.reduce_index %slice3A {axis = 1 : i32, kind = #tpu.reduction_kind<arg_min>} : vector<512x4096xf32> -> vector<512xi32>
    %broadcast_in_dim3A_18 = vector.shape_cast %argmin3A : vector<512xi32> to vector<512x1xi32>
    %add3A_19 = arith.constant 0 : i32
    %add3A_20 = vector.broadcast %add3A_19 : i32 to vector<512x1xi32>
    %add3A_21 = arith.addi %broadcast_in_dim3A_18, %add3A_20 : vector<512x1xi32>
    %slice3A_22 = vector.extract_strided_slice %add3A_16 {offsets = [0, 4096], sizes = [512, 4096], strides = [1, 1]} : vector<512x8192xf32> to vector<512x4096xf32>
    %reduce_min3A_23 = arith.constant dense<0x7F800000> : vector<512xf32>
    %reduce_min3A_24 = vector.multi_reduction <minimumf>, %slice3A_22, %reduce_min3A_23 [1] : vector<512x4096xf32> to vector<512xf32>
    %broadcast_in_dim3A_25 = vector.shape_cast %reduce_min3A_24 : vector<512xf32> to vector<512x1xf32>
    %argmin3A_26 = tpu.reduce_index %slice3A_22 {axis = 1 : i32, kind = #tpu.reduction_kind<arg_min>} : vector<512x4096xf32> -> vector<512xi32>
    %broadcast_in_dim3A_27 = vector.shape_cast %argmin3A_26 : vector<512xi32> to vector<512x1xi32>
    %add3A_28 = arith.constant 4096 : i32
    %add3A_29 = vector.broadcast %add3A_28 : i32 to vector<512x1xi32>
    %add3A_30 = arith.addi %broadcast_in_dim3A_27, %add3A_29 : vector<512x1xi32>
    %convert_element_type3A_31 = arith.truncf %broadcast_in_dim3A : vector<512x1xf32> to vector<512x1xbf16>
    %convert_element_type3A_32 = arith.extf %convert_element_type3A_31 : vector<512x1xbf16> to vector<512x1xf32>
    %lt3A = arith.cmpf olt, %broadcast_in_dim3A_25, %convert_element_type3A_32 : vector<512x1xf32>
    %select_n3A = arith.select %lt3A, %add3A_30, %add3A_21 : vector<512x1xi1>, vector<512x1xi32>
    %swap3A = arith.constant 0 : index
    %swap3A_33 = arith.constant 0 : index
    %swap3A_34 = vector.load %arg5[%swap3A, %swap3A_33] : memref<512x4xi32, #tpu.memory_space<vmem>>, vector<512x1xi32>
    tpu.vector_store %arg5[%swap3A, %swap3A_33], %select_n3A {strides = array<i32>} : memref<512x4xi32, #tpu.memory_space<vmem>>, vector<512x1xi32>,
    %add3A_35 = arith.constant 0 : i32
    %add3A_36 = vector.broadcast %add3A_35 : i32 to vector<512x1xi32>
    %add3A_37 = arith.addi %select_n3A, %add3A_36 : vector<512x1xi32>
    %swap3A_38 = arith.constant 0 : index
    %swap3A_39 = arith.constant 0 : index
    %swap3A_40 = vector.load %arg6[%swap3A_38, %swap3A_39] : memref<512x4xi32, #tpu.memory_space<vmem>>, vector<512x1xi32>
    tpu.vector_store %arg6[%swap3A_38, %swap3A_39], %add3A_37 {strides = array<i32>} : memref<512x4xi32, #tpu.memory_space<vmem>>, vector<512x1xi32>,
    %get3A_41 = arith.constant 0 : index
    %get3A_42 = arith.constant 64 : index
    %get3A_43 = vector.load %arg1[%get3A_41, %get3A_42] : memref<512x256xf32, #tpu.memory_space<vmem>>, vector<512x64xf32>
    %convert_element_type3A_44 = arith.truncf %get3A_43 : vector<512x64xf32> to vector<512x64xbf16>
    %get3A_45 = arith.constant 1 : index
    %get3A_46 = arith.constant 0 : index
    %get3A_47 = arith.constant 0 : index
    %get3A_48 = vector.load %arg2[%get3A_45, %get3A_46, %get3A_47] : memref<4x64x8192xf32, #tpu.memory_space<vmem>>, vector<1x64x8192xf32>
    %get3A_49 = vector.shape_cast %get3A_48 : vector<1x64x8192xf32> to vector<64x8192xf32>
    %convert_element_type3A_50 = arith.truncf %get3A_49 : vector<64x8192xf32> to vector<64x8192xbf16>
    %dot_general3A_51 = arith.constant dense<0.000000e+00> : vector<512x8192xf32>
    %dot_general3A_52 = tpu.matmul %convert_element_type3A_44, %convert_element_type3A_50, %dot_general3A_51 {dimension_numbers = #tpu.dot_dimension_numbers<[1], [0], [0], [1], [0, 0, 1, 1], [], []>, transpose_lhs_hint = false} : vector<512x64xbf16>, vector<64x8192xbf16>, vector<512x8192xf32> -> vector<512x8192xf32>
    %get3A_53 = arith.constant 0 : index
    %get3A_54 = arith.constant 1 : index
    %get3A_55 = vector.load %arg3[%get3A_53, %get3A_54] : memref<512x4xf32, #tpu.memory_space<vmem>>, vector<512x1xf32>
    %sub3A_56 = vector.broadcast %get3A_55 : vector<512x1xf32> to vector<512x8192xf32>
    %sub3A_57 = arith.subf %sub3A_56, %dot_general3A_52 : vector<512x8192xf32>
    %get3A_58 = arith.constant 1 : index
    %get3A_59 = arith.constant 0 : index
    %get3A_60 = vector.load %arg4[%get3A_58, %get3A_59] : memref<4x8192xf32, #tpu.memory_space<vmem>>, vector<1x8192xf32>
    %add3A_61 = vector.broadcast %get3A_60 : vector<1x8192xf32> to vector<512x8192xf32>
    %add3A_62 = arith.addf %sub3A_57, %add3A_61 : vector<512x8192xf32>
    %slice3A_63 = vector.extract_strided_slice %add3A_62 {offsets = [0, 0], sizes = [512, 4096], strides = [1, 1]} : vector<512x8192xf32> to vector<512x4096xf32>
    %reduce_min3A_64 = arith.constant dense<0x7F800000> : vector<512xf32>
    %reduce_min3A_65 = vector.multi_reduction <minimumf>, %slice3A_63, %reduce_min3A_64 [1] : vector<512x4096xf32> to vector<512xf32>
    %broadcast_in_dim3A_66 = vector.shape_cast %reduce_min3A_65 : vector<512xf32> to vector<512x1xf32>
    %argmin3A_67 = tpu.reduce_index %slice3A_63 {axis = 1 : i32, kind = #tpu.reduction_kind<arg_min>} : vector<512x4096xf32> -> vector<512xi32>
    %broadcast_in_dim3A_68 = vector.shape_cast %argmin3A_67 : vector<512xi32> to vector<512x1xi32>
    %add3A_69 = arith.constant 0 : i32
    %add3A_70 = vector.broadcast %add3A_69 : i32 to vector<512x1xi32>
    %add3A_71 = arith.addi %broadcast_in_dim3A_68, %add3A_70 : vector<512x1xi32>
    %slice3A_72 = vector.extract_strided_slice %add3A_62 {offsets = [0, 4096], sizes = [512, 4096], strides = [1, 1]} : vector<512x8192xf32> to vector<512x4096xf32>
    %reduce_min3A_73 = arith.constant dense<0x7F800000> : vector<512xf32>
    %reduce_min3A_74 = vector.multi_reduction <minimumf>, %slice3A_72, %reduce_min3A_73 [1] : vector<512x4096xf32> to vector<512xf32>
    %broadcast_in_dim3A_75 = vector.shape_cast %reduce_min3A_74 : vector<512xf32> to vector<512x1xf32>
    %argmin3A_76 = tpu.reduce_index %slice3A_72 {axis = 1 : i32, kind = #tpu.reduction_kind<arg_min>} : vector<512x4096xf32> -> vector<512xi32>
    %broadcast_in_dim3A_77 = vector.shape_cast %argmin3A_76 : vector<512xi32> to vector<512x1xi32>
    %add3A_78 = arith.constant 4096 : i32
    %add3A_79 = vector.broadcast %add3A_78 : i32 to vector<512x1xi32>
    %add3A_80 = arith.addi %broadcast_in_dim3A_77, %add3A_79 : vector<512x1xi32>
    %convert_element_type3A_81 = arith.truncf %broadcast_in_dim3A_66 : vector<512x1xf32> to vector<512x1xbf16>
    %convert_element_type3A_82 = arith.extf %convert_element_type3A_81 : vector<512x1xbf16> to vector<512x1xf32>
    %lt3A_83 = arith.cmpf olt, %broadcast_in_dim3A_75, %convert_element_type3A_82 : vector<512x1xf32>
    %select_n3A_84 = arith.select %lt3A_83, %add3A_80, %add3A_71 : vector<512x1xi1>, vector<512x1xi32>
    %swap3A_85 = arith.constant 0 : index
    %swap3A_86 = arith.constant 1 : index
    %swap3A_87 = vector.load %arg5[%swap3A_85, %swap3A_86] : memref<512x4xi32, #tpu.memory_space<vmem>>, vector<512x1xi32>
    tpu.vector_store %arg5[%swap3A_85, %swap3A_86], %select_n3A_84 {strides = array<i32>} : memref<512x4xi32, #tpu.memory_space<vmem>>, vector<512x1xi32>,
    %add3A_88 = arith.constant 8192 : i32
    %add3A_89 = vector.broadcast %add3A_88 : i32 to vector<512x1xi32>
    %add3A_90 = arith.addi %select_n3A_84, %add3A_89 : vector<512x1xi32>
    %swap3A_91 = arith.constant 0 : index
    %swap3A_92 = arith.constant 1 : index
    %swap3A_93 = vector.load %arg6[%swap3A_91, %swap3A_92] : memref<512x4xi32, #tpu.memory_space<vmem>>, vector<512x1xi32>
    tpu.vector_store %arg6[%swap3A_91, %swap3A_92], %add3A_90 {strides = array<i32>} : memref<512x4xi32, #tpu.memory_space<vmem>>, vector<512x1xi32>,
    %get3A_94 = arith.constant 0 : index
    %get3A_95 = arith.constant 128 : index
    %get3A_96 = vector.load %arg1[%get3A_94, %get3A_95] : memref<512x256xf32, #tpu.memory_space<vmem>>, vector<512x64xf32>
    %convert_element_type3A_97 = arith.truncf %get3A_96 : vector<512x64xf32> to vector<512x64xbf16>
    %get3A_98 = arith.constant 2 : index
    %get3A_99 = arith.constant 0 : index
    %get3A_100 = arith.constant 0 : index
    %get3A_101 = vector.load %arg2[%get3A_98, %get3A_99, %get3A_100] : memref<4x64x8192xf32, #tpu.memory_space<vmem>>, vector<1x64x8192xf32>
    %get3A_102 = vector.shape_cast %get3A_101 : vector<1x64x8192xf32> to vector<64x8192xf32>
    %convert_element_type3A_103 = arith.truncf %get3A_102 : vector<64x8192xf32> to vector<64x8192xbf16>
    %dot_general3A_104 = arith.constant dense<0.000000e+00> : vector<512x8192xf32>
    %dot_general3A_105 = tpu.matmul %convert_element_type3A_97, %convert_element_type3A_103, %dot_general3A_104 {dimension_numbers = #tpu.dot_dimension_numbers<[1], [0], [0], [1], [0, 0, 1, 1], [], []>, transpose_lhs_hint = false} : vector<512x64xbf16>, vector<64x8192xbf16>, vector<512x8192xf32> -> vector<512x8192xf32>
    %get3A_106 = arith.constant 0 : index
    %get3A_107 = arith.constant 2 : index
    %get3A_108 = vector.load %arg3[%get3A_106, %get3A_107] : memref<512x4xf32, #tpu.memory_space<vmem>>, vector<512x1xf32>
    %sub3A_109 = vector.broadcast %get3A_108 : vector<512x1xf32> to vector<512x8192xf32>
    %sub3A_110 = arith.subf %sub3A_109, %dot_general3A_105 : vector<512x8192xf32>
    %get3A_111 = arith.constant 2 : index
    %get3A_112 = arith.constant 0 : index
    %get3A_113 = vector.load %arg4[%get3A_111, %get3A_112] : memref<4x8192xf32, #tpu.memory_space<vmem>>, vector<1x8192xf32>
    %add3A_114 = vector.broadcast %get3A_113 : vector<1x8192xf32> to vector<512x8192xf32>
    %add3A_115 = arith.addf %sub3A_110, %add3A_114 : vector<512x8192xf32>
    %slice3A_116 = vector.extract_strided_slice %add3A_115 {offsets = [0, 0], sizes = [512, 4096], strides = [1, 1]} : vector<512x8192xf32> to vector<512x4096xf32>
    %reduce_min3A_117 = arith.constant dense<0x7F800000> : vector<512xf32>
    %reduce_min3A_118 = vector.multi_reduction <minimumf>, %slice3A_116, %reduce_min3A_117 [1] : vector<512x4096xf32> to vector<512xf32>
    %broadcast_in_dim3A_119 = vector.shape_cast %reduce_min3A_118 : vector<512xf32> to vector<512x1xf32>
    %argmin3A_120 = tpu.reduce_index %slice3A_116 {axis = 1 : i32, kind = #tpu.reduction_kind<arg_min>} : vector<512x4096xf32> -> vector<512xi32>
    %broadcast_in_dim3A_121 = vector.shape_cast %argmin3A_120 : vector<512xi32> to vector<512x1xi32>
    %add3A_122 = arith.constant 0 : i32
    %add3A_123 = vector.broadcast %add3A_122 : i32 to vector<512x1xi32>
    %add3A_124 = arith.addi %broadcast_in_dim3A_121, %add3A_123 : vector<512x1xi32>
    %slice3A_125 = vector.extract_strided_slice %add3A_115 {offsets = [0, 4096], sizes = [512, 4096], strides = [1, 1]} : vector<512x8192xf32> to vector<512x4096xf32>
    %reduce_min3A_126 = arith.constant dense<0x7F800000> : vector<512xf32>
    %reduce_min3A_127 = vector.multi_reduction <minimumf>, %slice3A_125, %reduce_min3A_126 [1] : vector<512x4096xf32> to vector<512xf32>
    %broadcast_in_dim3A_128 = vector.shape_cast %reduce_min3A_127 : vector<512xf32> to vector<512x1xf32>
    %argmin3A_129 = tpu.reduce_index %slice3A_125 {axis = 1 : i32, kind = #tpu.reduction_kind<arg_min>} : vector<512x4096xf32> -> vector<512xi32>
    %broadcast_in_dim3A_130 = vector.shape_cast %argmin3A_129 : vector<512xi32> to vector<512x1xi32>
    %add3A_131 = arith.constant 4096 : i32
    %add3A_132 = vector.broadcast %add3A_131 : i32 to vector<512x1xi32>
    %add3A_133 = arith.addi %broadcast_in_dim3A_130, %add3A_132 : vector<512x1xi32>
    %convert_element_type3A_134 = arith.truncf %broadcast_in_dim3A_119 : vector<512x1xf32> to vector<512x1xbf16>
    %convert_element_type3A_135 = arith.extf %convert_element_type3A_134 : vector<512x1xbf16> to vector<512x1xf32>
    %lt3A_136 = arith.cmpf olt, %broadcast_in_dim3A_128, %convert_element_type3A_135 : vector<512x1xf32>
    %select_n3A_137 = arith.select %lt3A_136, %add3A_133, %add3A_124 : vector<512x1xi1>, vector<512x1xi32>
    %swap3A_138 = arith.constant 0 : index
    %swap3A_139 = arith.constant 2 : index
    %swap3A_140 = vector.load %arg5[%swap3A_138, %swap3A_139] : memref<512x4xi32, #tpu.memory_space<vmem>>, vector<512x1xi32>
    tpu.vector_store %arg5[%swap3A_138, %swap3A_139], %select_n3A_137 {strides = array<i32>} : memref<512x4xi32, #tpu.memory_space<vmem>>, vector<512x1xi32>,
    %add3A_141 = arith.constant 16384 : i32
    %add3A_142 = vector.broadcast %add3A_141 : i32 to vector<512x1xi32>
    %add3A_143 = arith.addi %select_n3A_137, %add3A_142 : vector<512x1xi32>
    %swap3A_144 = arith.constant 0 : index
    %swap3A_145 = arith.constant 2 : index
    %swap3A_146 = vector.load %arg6[%swap3A_144, %swap3A_145] : memref<512x4xi32, #tpu.memory_space<vmem>>, vector<512x1xi32>
    tpu.vector_store %arg6[%swap3A_144, %swap3A_145], %add3A_143 {strides = array<i32>} : memref<512x4xi32, #tpu.memory_space<vmem>>, vector<512x1xi32>,
    %get3A_147 = arith.constant 0 : index
    %get3A_148 = arith.constant 192 : index
    %get3A_149 = vector.load %arg1[%get3A_147, %get3A_148] : memref<512x256xf32, #tpu.memory_space<vmem>>, vector<512x64xf32>
    %convert_element_type3A_150 = arith.truncf %get3A_149 : vector<512x64xf32> to vector<512x64xbf16>
    %get3A_151 = arith.constant 3 : index
    %get3A_152 = arith.constant 0 : index
    %get3A_153 = arith.constant 0 : index
    %get3A_154 = vector.load %arg2[%get3A_151, %get3A_152, %get3A_153] : memref<4x64x8192xf32, #tpu.memory_space<vmem>>, vector<1x64x8192xf32>
    %get3A_155 = vector.shape_cast %get3A_154 : vector<1x64x8192xf32> to vector<64x8192xf32>
    %convert_element_type3A_156 = arith.truncf %get3A_155 : vector<64x8192xf32> to vector<64x8192xbf16>
    %dot_general3A_157 = arith.constant dense<0.000000e+00> : vector<512x8192xf32>
    %dot_general3A_158 = tpu.matmul %convert_element_type3A_150, %convert_element_type3A_156, %dot_general3A_157 {dimension_numbers = #tpu.dot_dimension_numbers<[1], [0], [0], [1], [0, 0, 1, 1], [], []>, transpose_lhs_hint = false} : vector<512x64xbf16>, vector<64x8192xbf16>, vector<512x8192xf32> -> vector<512x8192xf32>
    %get3A_159 = arith.constant 0 : index
    %get3A_160 = arith.constant 3 : index
    %get3A_161 = vector.load %arg3[%get3A_159, %get3A_160] : memref<512x4xf32, #tpu.memory_space<vmem>>, vector<512x1xf32>
    %sub3A_162 = vector.broadcast %get3A_161 : vector<512x1xf32> to vector<512x8192xf32>
    %sub3A_163 = arith.subf %sub3A_162, %dot_general3A_158 : vector<512x8192xf32>
    %get3A_164 = arith.constant 3 : index
    %get3A_165 = arith.constant 0 : index
    %get3A_166 = vector.load %arg4[%get3A_164, %get3A_165] : memref<4x8192xf32, #tpu.memory_space<vmem>>, vector<1x8192xf32>
    %add3A_167 = vector.broadcast %get3A_166 : vector<1x8192xf32> to vector<512x8192xf32>
    %add3A_168 = arith.addf %sub3A_163, %add3A_167 : vector<512x8192xf32>
    %slice3A_169 = vector.extract_strided_slice %add3A_168 {offsets = [0, 0], sizes = [512, 4096], strides = [1, 1]} : vector<512x8192xf32> to vector<512x4096xf32>
    %reduce_min3A_170 = arith.constant dense<0x7F800000> : vector<512xf32>
    %reduce_min3A_171 = vector.multi_reduction <minimumf>, %slice3A_169, %reduce_min3A_170 [1] : vector<512x4096xf32> to vector<512xf32>
    %broadcast_in_dim3A_172 = vector.shape_cast %reduce_min3A_171 : vector<512xf32> to vector<512x1xf32>
    %argmin3A_173 = tpu.reduce_index %slice3A_169 {axis = 1 : i32, kind = #tpu.reduction_kind<arg_min>} : vector<512x4096xf32> -> vector<512xi32>
    %broadcast_in_dim3A_174 = vector.shape_cast %argmin3A_173 : vector<512xi32> to vector<512x1xi32>
    %add3A_175 = arith.constant 0 : i32
    %add3A_176 = vector.broadcast %add3A_175 : i32 to vector<512x1xi32>
    %add3A_177 = arith.addi %broadcast_in_dim3A_174, %add3A_176 : vector<512x1xi32>
    %slice3A_178 = vector.extract_strided_slice %add3A_168 {offsets = [0, 4096], sizes = [512, 4096], strides = [1, 1]} : vector<512x8192xf32> to vector<512x4096xf32>
    %reduce_min3A_179 = arith.constant dense<0x7F800000> : vector<512xf32>
    %reduce_min3A_180 = vector.multi_reduction <minimumf>, %slice3A_178, %reduce_min3A_179 [1] : vector<512x4096xf32> to vector<512xf32>
    %broadcast_in_dim3A_181 = vector.shape_cast %reduce_min3A_180 : vector<512xf32> to vector<512x1xf32>
    %argmin3A_182 = tpu.reduce_index %slice3A_178 {axis = 1 : i32, kind = #tpu.reduction_kind<arg_min>} : vector<512x4096xf32> -> vector<512xi32>
    %broadcast_in_dim3A_183 = vector.shape_cast %argmin3A_182 : vector<512xi32> to vector<512x1xi32>
    %add3A_184 = arith.constant 4096 : i32
    %add3A_185 = vector.broadcast %add3A_184 : i32 to vector<512x1xi32>
    %add3A_186 = arith.addi %broadcast_in_dim3A_183, %add3A_185 : vector<512x1xi32>
    %convert_element_type3A_187 = arith.truncf %broadcast_in_dim3A_172 : vector<512x1xf32> to vector<512x1xbf16>
    %convert_element_type3A_188 = arith.extf %convert_element_type3A_187 : vector<512x1xbf16> to vector<512x1xf32>
    %lt3A_189 = arith.cmpf olt, %broadcast_in_dim3A_181, %convert_element_type3A_188 : vector<512x1xf32>
    %select_n3A_190 = arith.select %lt3A_189, %add3A_186, %add3A_177 : vector<512x1xi1>, vector<512x1xi32>
    %swap3A_191 = arith.constant 0 : index
    %swap3A_192 = arith.constant 3 : index
    %swap3A_193 = vector.load %arg5[%swap3A_191, %swap3A_192] : memref<512x4xi32, #tpu.memory_space<vmem>>, vector<512x1xi32>
    tpu.vector_store %arg5[%swap3A_191, %swap3A_192], %select_n3A_190 {strides = array<i32>} : memref<512x4xi32, #tpu.memory_space<vmem>>, vector<512x1xi32>,
    %add3A_194 = arith.constant 24576 : i32
    %add3A_195 = vector.broadcast %add3A_194 : i32 to vector<512x1xi32>
    %add3A_196 = arith.addi %select_n3A_190, %add3A_195 : vector<512x1xi32>
    %swap3A_197 = arith.constant 0 : index
    %swap3A_198 = arith.constant 3 : index
    %swap3A_199 = vector.load %arg6[%swap3A_197, %swap3A_198] : memref<512x4xi32, #tpu.memory_space<vmem>>, vector<512x1xi32>
    tpu.vector_store %arg6[%swap3A_197, %swap3A_198], %add3A_196 {strides = array<i32>} : memref<512x4xi32, #tpu.memory_space<vmem>>, vector<512x1xi32>,
    return
  }
  func.func @transform_0(%arg0: i32) -> (i32, i32) {
    %c0_i32 = arith.constant 0 : i32
    %c0_i32_0 = arith.constant 0 : i32
    return %arg0, %c0_i32 : i32, i32
  }
  func.func @transform_1(%arg0: i32) -> (i32, i32, i32) {
    %c0_i32 = arith.constant 0 : i32
    %c0_i32_0 = arith.constant 0 : i32
    %c0_i32_1 = arith.constant 0 : i32
    %c0_i32_2 = arith.constant 0 : i32
    return %c0_i32, %c0_i32_0, %c0_i32_1 : i32, i32, i32
  }
  func.func @transform_2(%arg0: i32) -> (i32, i32) {
    %c0_i32 = arith.constant 0 : i32
    %c0_i32_0 = arith.constant 0 : i32
    return %arg0, %c0_i32 : i32, i32
  }
  func.func @transform_3(%arg0: i32) -> (i32, i32) {
    %c0_i32 = arith.constant 0 : i32
    %c0_i32_0 = arith.constant 0 : i32
    %c0_i32_1 = arith.constant 0 : i32
    return %c0_i32, %c0_i32_0 : i32, i32
  }
  func.func @transform_4(%arg0: i32) -> (i32, i32) {
    %c0_i32 = arith.constant 0 : i32
    %c0_i32_0 = arith.constant 0 : i32
    return %arg0, %c0_i32 : i32, i32
  }
  func.func @transform_5(%arg0: i32) -> (i32, i32) {
    %c0_i32 = arith.constant 0 : i32
    %c0_i32_0 = arith.constant 0 : i32
    return %arg0, %c0_i32 : i32, i32
  }
}

</mosaic_0001>

<sc_bundles>
// kernel: kernel.4.cloned.1.call-start
scs
__scs_entry_jumppad:
0x0: {  	(pc) =	sbr.rel $0x88, $3  }
0x1: {  	(tag) =	ssettag $0x0;
	lr =	simm.s32 $0x1  }
0x2: {  	[smem:$0x3F9F] =	sst lr;
	_ =	strace $0xD0000000  }
0x3: {  	_ = 	snop  }
0x4: {  	_ = 	snop  }
0x5: {  	_ = 	snop  }
0x6: {  	_ = 	snop  }
0x7: {  	_ = 	snop  }
__scs_overlays_trampoline_lowered:
0x8: {  	[smem:$0x3FAE] =	sst s0  }
0x9: {  	[smem:$0x3FAF] =	sst s1  }
0xa: {  	[smem:$0x3FB0] =	sst s2  }
0xb: {  	[smem:$0x3FB1] =	sst s3  }
0xc: {  	[smem:$0x3FB2] =	sst s4  }
0xd: {  	[smem:$0x3FB3] =	sst s5  }
0xe: {  	[smem:$0x3FB4] =	sst s6  }
0xf: {  	[smem:$0x3FB5] =	sst s7  }
0x10: {  	[smem:$0x3FB6] =	sst s8  }
0x11: {  	[smem:$0x3FB7] =	sst s9;
	s0 =	simm.s32 @!p0 $0x0  }
0x12: {  	s1 =	sld [smem:$0x3F9D];
	s0 =	simm.s32 @p0 $0x1  }
0x13: {  	[smem:$0x3FB8] =	sst s0;
	s0 =	simm.s32 @!p1 $0x0  }
0x14: {  	s2 =	sld [smem:$0x3F9C];
	s0 =	simm.s32 @p1 $0x1  }
0x15: {  	[smem:$0x3FB9] =	sst s0;
	s0 =	simm.s32 @!p2 $0x0  }
0x16: {  	s3 =	sld [smem:$0x3FDB];
	s0 =	simm.s32 @p2 $0x1  }
0x17: {  	s4 =	simm.s32 $0x1BF5;
	[smem:$0x3FBB] =	sst s0  }
0x18: {  	s0 =	sld [smem:$0x3F9E];
	_ =	swait.ge [sflag:s4], $0x0  }
0x19: {  	s7 =	sld [smem:$0x3F9F]  }
0x1a: {  	s8 =	sadd.s32 $0xFFFFE003, lr  }
0x1b: {  	s9 =	sadd.s32 $0xFFFFFEF7, lr;
	s5 =	simm.s32 $0xFFFFFFFF;
	p2 =	slt.u32 s8, $0xFFFFF086  }
0x1c: {  	p1 =	slt.u32 s9, $0xF7A;
	s5 =	simm.s32 @!p2 $0x0  }
0x1d: {  	s5 =	simm.s32 @p1 $0x1;
	p0 =	seq.s32 s7, s2  }
0x1e: {  	s7 =	smul.u32 @!p0 $0xF7A, s2;
	p2 =	seq.s32 @!p0 s5, $0x0  }
0x1f: {  	s9 =	smul.u32 $0xF7A, s1;
	s8 =	simm.s32 @!p0 $0x1BF5;
	p2 =	por !p2, p0  }
0x20: {  	[sflag:s8] =	ssyncset.s32 @!p0 $0xFFFFF086;
	s6 =	sadd.s32 @!p0 s3, s7;
	s7 =	simm.s32 @!p0 $0x108  }
0x21: {  	s3 =	sadd.s32 s3, s9;
	s6 =	sadd.s32 @!p0 $0x88, s6;
	s7 =	simm.s32 @p2 $0x1082  }
0x22: {  	[simem:s7], [sflag:s8] =	dma.local @!p0 [hbm:s6], $0xF7A  }
0x23: {  	s9 =	sor.u32 $0xD0000000, s2;
	s6 =	simm.s32 $0x108;
	_ =	swait.ge @!p0 [sflag:s8], $0x0  }
0x24: {  	s3 =	sadd.s32 $0x88, s3;
	s6 =	simm.s32 @!p1 $0x1082;
	[sflag:s4] =	ssyncset.s32 $0xFFFFF086  }
0x25: {  	[simem:s6], [sflag:s4] =	dma.local [hbm:s3], $0xF7A  }
0x26: {  	[smem:$0x3F9F] =	sst s1;
	(tag) =	ssettag s2;
	_ =	strace s9  }
0x27: {  	s1 =	sld [smem:$0x3FAF]  }
0x28: {  	s2 =	sld [smem:$0x3FB0]  }
0x29: {  	s4 =	sld [smem:$0x3FB2]  }
0x2a: {  	p0 =	seq.s32 s5, $0x0;
	s5 =	sld [smem:$0x3FB3]  }
0x2b: {  	s6 =	sld [smem:$0x3FB4]  }
0x2c: {  	s7 =	sld [smem:$0x3FB5]  }
0x2d: {  	s3 =	simm.s32 $0x108;
	s8 =	sld [smem:$0x3FB6]  }
0x2e: {  	s3 =	simm.s32 @!p0 $0x1082;
	s9 =	sld [smem:$0x3FB7]  }
0x2f: {  	lr =	sadd.s32 s0, s3;
	s0 =	sld [smem:$0x3FAE]  }
0x30: {  	s3 =	sld [smem:$0x3FB1]  }
0x31: {  	[smem:$0x3FBA] =	sst s10  }
0x32: {  	s10 =	sld [smem:$0x3FB8];
	_ =	sdelay $0x3  }
0x33: {  	p0 =	seq.s32 s10, $0x1;
	s10 =	sld [smem:$0x3FBA];
	_ =	sdelay $0x3  }
0x34: {  	[smem:$0x3FBA] =	sst s10  }
0x35: {  	s10 =	sld [smem:$0x3FB9];
	_ =	sdelay $0x3  }
0x36: {  	p1 =	seq.s32 s10, $0x1;
	s10 =	sld [smem:$0x3FBA];
	_ =	sdelay $0x3  }
0x37: {  	[smem:$0x3FBA] =	sst s10  }
0x38: {  	s10 =	sld [smem:$0x3FBB]  }
0x39: {  	_ = 	snop;
	(pc) =	sbr.ind lr, $3  }
0x3a: {  	_ = 	snop  }
0x3b: {  	_ = 	snop  }
0x3c: {  	p2 =	seq.s32 s10, $0x1;
	s10 =	sld [smem:$0x3FBA]  }
0x3d: {  	_ =	shalt  }
0x3e: {  	_ =	shalt  }
0x3f: {  	_ =	shalt  }
0x40: {  	_ =	shalt  }
0x41: {  	_ =	shalt  }
0x42: {  	_ =	shalt  }
0x43: {  	_ =	shalt  }
0x44: {  	_ =	shalt  }
0x45: {  	_ =	shalt  }
0x46: {  	_ =	shalt  }
0x47: {  	_ =	shalt  }
0x48: {  	_ =	shalt  }
0x49: {  	_ =	shalt  }
0x4a: {  	_ =	shalt  }
0x4b: {  	_ =	shalt  }
0x4c: {  	_ =	shalt  }
0x4d: {  	_ =	shalt  }
0x4e: {  	_ =	shalt  }
0x4f: {  	_ =	shalt  }
0x50: {  	_ =	shalt  }
0x51: {  	_ =	shalt  }
0x52: {  	_ =	shalt  }
0x53: {  	_ =	shalt  }
0x54: {  	_ =	shalt  }
0x55: {  	_ =	shalt  }
0x56: {  	_ =	shalt  }
0x57: {  	_ =	shalt  }
0x58: {  	_ =	shalt  }
0x59: {  	_ =	shalt  }
0x5a: {  	_ =	shalt  }
0x5b: {  	_ =	shalt  }
0x5c: {  	_ =	shalt  }
0x5d: {  	_ =	shalt  }
0x5e: {  	_ =	shalt  }
0x5f: {  	_ =	shalt  }
0x60: {  	_ =	shalt  }
0x61: {  	_ =	shalt  }
0x62: {  	_ =	shalt  }
0x63: {  	_ =	shalt  }
0x64: {  	_ =	shalt  }
0x65: {  	_ =	shalt  }
0x66: {  	_ =	shalt  }
0x67: {  	_ =	shalt  }
0x68: {  	_ =	shalt  }
0x69: {  	_ =	shalt  }
0x6a: {  	_ =	shalt  }
0x6b: {  	_ =	shalt  }
0x6c: {  	_ =	shalt  }
0x6d: {  	_ =	shalt  }
0x6e: {  	_ =	shalt  }
0x6f: {  	_ =	shalt  }
0x70: {  	_ =	shalt  }
0x71: {  	_ =	shalt  }
0x72: {  	_ =	shalt  }
0x73: {  	_ =	shalt  }
0x74: {  	_ =	shalt  }
0x75: {  	_ =	shalt  }
0x76: {  	_ =	shalt  }
0x77: {  	_ =	shalt  }
0x78: {  	_ =	shalt  }
0x79: {  	_ =	shalt  }
0x7a: {  	_ =	shalt  }
0x7b: {  	_ =	shalt  }
0x7c: {  	_ =	shalt  }
0x7d: {  	_ =	shalt  }
0x7e: {  	_ =	shalt  }
0x7f: {  	_ =	shalt  }
0x80: {  	_ =	shalt  }
0x81: {  	_ =	shalt  }
0x82: {  	_ =	shalt  }
0x83: {  	_ =	shalt  }
0x84: {  	_ =	shalt  }
0x85: {  	_ =	shalt  }
0x86: {  	_ =	shalt  }
0x87: {  	_ =	shalt  }
.Lfunc_end0:
.L_simem_size_0:
called_computation_lowered:
.L_overlay_start_0:
0x88: {  	s2 =	sld [smem:$0x3FD9]  }
0x89: {  	s3 =	sld [smem:$0x3FFE];
	_ =	sdelay $0x1  }
0x8a: {  	s1 =	srdreg.scid  }
0x8b: {  	s0 =	sand.u32 $0x1, s1  }
0x8c: {  	s14 =	sshll.u32 s0, $0xA;
	s2 =	sadd.s32 s3, s2  }
0x8d: {  	s2 =	sadd.s32 s2, s14  }
0x8e: {  	[smem:$0x3FC6] =	sst s2  }
0x8f: {  	_ = 	snop  }
0x90: {  	s2 =	sld [smem:$0x3FD0];
	_ =	sdelay $0x2  }
0x91: {  	s15 =	simm.s32 $0xA;
	s4 =	simm.s32 $0x10  }
0x92: {  	[smem:s4], [sflag:s15] =	dma.local [hbm:s2], $0x1  }
0x93: {  	_ =	swait.eq [sflag:s15], $0x1  }
0x94: {  	[sflag:s15] =	ssyncset.done $0x0  }
0x95: {  	[sflag:s15] =	ssyncadd.s32 $0xFFFFFFFF  }
0x96: {  	s16 =	sld [smem:$0x10];
	(tm) =	ssettm $0x1  }
0x97: {  	s17 =	sld [smem:$0x3FFB];
	_ =	sdelay $0x3  }
0x98: {  	_ =	strace s17  }
0x99: {  	s3 =	sld [smem:$0x3FFC];
	_ =	sdelay $0x3  }
0x9a: {  	_ =	strace s3  }
0x9b: {  	s3 =	sld [smem:$0x3FFD];
	_ =	sdelay $0x3  }
0x9c: {  	_ =	strace s3  }
0x9d: {  	_ =	strace $0x8FFFFFFF  }
0x9e: {  	s18 =	sld [smem:$0x3FDB];
	_ =	sdelay $0x1  }
0x9f: {  	s19 =	simm.s32 $_scs_section_size  }
0xa0: {  	s5 =	simm.s32 $_size__tile_overlayer_lowered;
	s6 =	simm.s32 $_tile_overlayer_lowered  }
0xa1: {  	s22 =	simm.s32 $0x1BFF;
	s21 =	sshll.u32 s6, $0x1;
	s3 =	sadd.s32 s19, s18  }
0xa2: {  	s7 =	simm.s32 $0x0;
	s20 =	sshll.u32 s5, $0x1;
	s5 =	sadd.s32 s21, s3  }
0xa3: {  	[timem:s7], [sflag:s22] =	dma.local [hbm:s5], s20  }
0xa4: {  	_ =	swait.ge [sflag:s22], s20  }
0xa5: {  	s4 =	ssub.s32 $0x0, s20;
	[sflag:s22] =	ssyncset.done $0x0  }
0xa6: {  	[sflag:s22] =	ssyncadd.s32 s4;
	_ =	sdelay $0x1  }
0xa7: {  	s23 =	simm.s32 $0x1B8B  }
0xa8: {  	_ =	swait.ge [sflag:s23], $0x1  }
0xa9: {  	[sflag:s23] =	ssyncset.done $0x0  }
0xaa: {  	s25 =	simm.s32 $0x1B8E;
	s24 =	sld [smem:$0x3FFE];
	[sflag:s23] =	ssyncadd.s32 $0xFFFFFFFF  }
0xab: {  	s26 =	simm.s32 $execute0_lowered;
	[smem:$0x3FD2] =	sst s25  }
0xac: {  	s5 =	sshll.u32 s26, $0x1;
	_ =	strace $0x80000046;
	[dreg:$0x1] =	wrdreg $0xFFFFFFFF  }
0xad: {  	s28 =	simm.s32 $_size_execute0_lowered;
	s3 =	sadd.s32 s3, s5;
	[dreg:$0x0] =	wrdreg $0x0  }
0xae: {  	s5 =	sshll.u32 s28, $0x1;
	[dreg:$0x2] =	wrdreg s3  }
0xaf: {  	[dreg:$0x3] =	wrdreg s5  }
0xb0: {  	[dreg:$0x4] =	wrdreg $0xC0  }
0xb1: {  	_ =	task [dreg:s7], $0x5FFFF  }
0xb2: {  	[dreg:$0x1] =	wrdreg $0xFFFFFFFF  }
0xb3: {  	[dreg:$0x0] =	wrdreg $0x60  }
0xb4: {  	[dreg:$0x2] =	wrdreg s24  }
0xb5: {  	[dreg:$0x3] =	wrdreg s16  }
0xb6: {  	[dreg:$0x4] =	wrdreg $0x9  }
0xb7: {  	_ =	task.clear_ibuf [dreg:s7], $0x5FFFF;
	_ =	strace $0x90000046  }
0xb8: {  	s29 =	simm.s32 $0x9;
	_ =	strace $0x80000048  }
0xb9: {  	_ =	swait.ge [sflag:s29], $0x1  }
0xba: {  	[sflag:s29] =	ssyncadd.s32 $0xFFFFFFFF  }
0xbb: {  	_ =	strace $0x90000048  }
0xbc: {  	_ =	sfence  }
0xbd: {  	s30 =	sld [smem:$0x0];
	_ =	sdelay $0x2  }
0xbe: {  	s31 =	sshll.u32 s1, $0xD;
	s1 =	sshrl.u32 s1, $0x2  }
0xbf: {  	s3 =	sand.u32 $0x4000, s31;
	s1 =	sadd.s32 s1, s30  }
0xc0: {  	s0 =	sor.u32 s3, s0;
	s1 =	sshll.u32 s1, $0x11  }
0xc1: {  	s0 =	sor.u32 s1, s0  }
0xc2: {  	s0 =	sadd.s32 $0x8F2B, s0  }
0xc3: {  	[sflag:s0] =	ssyncadd.remote.s32 $0x1  }
0xc4: {  	_ =	sfence.sel $0xFFFF  }
0xc5: {  	[dreg:$0x0] =	wrdreg $0xFFFFFFFF;
	(pc) =	sbr.abs _section_cstart, $3  }
0xc6: {  	[dreg:$0x1] =	wrdreg $0xFFFFFFFF  }
0xc7: {  	_ =	task.clear_ibuf [dreg:s7], $0x2FFFF;
	_ =	strace $0x9FFFFFFF  }
0xc8: {  	(tm) =	ssettm $0x7FFFFFFF  }
0xc9: {  	_ =	shalt  }
tec
execute0_lowered:
.L_overlay_start_1:
0x0: {  	(tag) =	ssettag $0x1  }
0x1: {  	s14 =	rddreg [dreg:$0x0]  }
0x2: {  	s1 =	srdreg.scid;
	s0 =	stileid.u32  }
0x3: {  	s3 =	rddreg [dreg:$0x1];
	s15 =	sand.u32 $0x1, s1;
	s4 =	sshll.u32 s0, $0x1  }
0x4: {  	s2 =	simm.s32 $0x0;
	s1 =	rddreg [dreg:$0x2];
	s16 =	sor.u32 s15, s4  }
0x5: {  	[smem:$0x7FF] =	sst s2;
	s4 =	sshll.u32 s16, $0x6  }
0x6: {  	_ =	strace $0x80000047;
	s4 =	sadd.s32 s3, s4;
	s3 =	simm.s32 $0x2  }
0x7: {  	[tilespmem:s2], [sflag:$0x2] =	stream.linear.gather [hbm4b:s4+s2], $0x200, $0x38;
	[tilespmem:$0x8200] =	vst v63  }
0x8: {  	_ =	swait.ge [sflag:s3], $0x200  }
0x9: {  	s6 =	simm.s32 $0x80;
	[sflag:s3] =	ssyncset.done $0x0  }
0xa: {  	s7 =	simm.s32 $0x200;
	s5 =	sadd.s32 $0x80200, s14;
	[sflag:s3] =	ssyncadd.s32 $0xFFFFFE00  }
0xb: {  	[tilespmem:s7], [sflag:$0x1] =	stream.indirect.gather [hbm4b:s5+s6], $0x40, s2, s6, $0xb8;
	[tilespmem:$0x8200] =	vst v63  }
0xc: {  	s8 =	simm.s32 $0x2200  }
0xd: {  	[tilespmem:s8], [sflag:$0x1] =	stream.indirect.gather [hbm4b:s5+s6], $0x40, s6, s6, $0xb8;
	[tilespmem:$0x8200] =	vst v63  }
0xe: {  	s9 =	simm.s32 $0x100;
	s10 =	simm.s32 $0x4200  }
0xf: {  	[tilespmem:s10], [sflag:$0x1] =	stream.indirect.gather [hbm4b:s5+s6], $0x40, s9, s6, $0xb8;
	[tilespmem:$0x8200] =	vst v63  }
0x10: {  	s11 =	simm.s32 $0x180;
	s12 =	simm.s32 $0x6200;
	s13 =	simm.s32 $0x1  }
0x11: {  	[tilespmem:s12], [sflag:$0x1] =	stream.indirect.gather [hbm4b:s5+s6], $0x40, s11, s6, $0xb8;
	[tilespmem:$0x8200] =	vst v63  }
0x12: {  	_ =	swait.ge [sflag:s13], $0x2000  }
0x13: {  	[sflag:s13] =	ssyncset.done $0x0  }
0x14: {  	[sflag:s13] =	ssyncadd.s32 $0xFFFFE000  }
0x15: {  	_ =	swait.ge [sflag:s13], $0x2000  }
0x16: {  	[sflag:s13] =	ssyncset.done $0x0  }
0x17: {  	s15 =	ssub.s32 $0x2, s15;
	[sflag:s13] =	ssyncadd.s32 $0xFFFFE000  }
0x18: {  	s17 =	sshrl.u32 s15, $0x1;
	_ =	swait.ge [sflag:s13], $0x2000  }
0x19: {  	s15 =	ssub.s32 s15, s17;
	[sflag:s13] =	ssyncset.done $0x0  }
0x1a: {  	s15 =	smax.u32 s15, $0x1;
	[sflag:s13] =	ssyncadd.s32 $0xFFFFE000  }
0x1b: {  	s16 =	sshll.u32 s16, $0xC;
	p0 =	sne.s32 s15, $0x1;
	_ =	swait.ge [sflag:s13], $0x2000  }
.Ltmp0:
0x1c: {  	s14 =	sadd.s32 s16, s14;
	[sflag:s13] =	ssyncset.done $0x0;
	(pc) =	sbr.rel @!p0 .LBB2_2-.Ltmp0, $4  }
0x1d: {  	s14 =	sadd.s32 $0x200, s14;
	[sflag:s13] =	ssyncadd.s32 $0xFFFFE000  }
0x1e: {  	[hbm4b:s14+s2] =	stream.linear.scatter [tilespmem:s7], [sflag:$0x2], $0x8000, $0x38;
	[tilespmem:$0x8200] =	vst v63  }
0x1f: {  	_ =	swait.ge [sflag:s3], $0x8000  }
0x20: {  	s15 =	sadd.s32 $0xFFFFFFFF, s15;
	[sflag:s3] =	ssyncset.done $0x0  }
.LBB2_1:
0x21: {  	p0 =	sne.s32 s15, $0x1;
	s15 =	sadd.s32 $0xFFFFFFFF, s15;
	[sflag:s3] =	ssyncadd.s32 $0xFFFF8000  }
0x22: {  	[tilespmem:s2], [sflag:$0x2] =	stream.linear.gather [hbm4b:s4+s2], $0x200, $0x38;
	[tilespmem:$0x8200] =	vst v63  }
0x23: {  	_ =	swait.ge [sflag:s3], $0x200  }
0x24: {  	[sflag:s3] =	ssyncset.done $0x0  }
0x25: {  	[sflag:s3] =	ssyncadd.s32 $0xFFFFFE00  }
0x26: {  	[tilespmem:s7], [sflag:$0x1] =	stream.indirect.gather [hbm4b:s5+s6], $0x40, s2, s6, $0xb8;
	[tilespmem:$0x8200] =	vst v63  }
0x27: {  	_ = 	snop  }
0x28: {  	[tilespmem:s8], [sflag:$0x1] =	stream.indirect.gather [hbm4b:s5+s6], $0x40, s6, s6, $0xb8;
	[tilespmem:$0x8200] =	vst v63  }
0x29: {  	_ = 	snop  }
0x2a: {  	[tilespmem:s10], [sflag:$0x1] =	stream.indirect.gather [hbm4b:s5+s6], $0x40, s9, s6, $0xb8;
	[tilespmem:$0x8200] =	vst v63  }
0x2b: {  	_ = 	snop  }
0x2c: {  	[tilespmem:s12], [sflag:$0x1] =	stream.indirect.gather [hbm4b:s5+s6], $0x40, s11, s6, $0xb8;
	[tilespmem:$0x8200] =	vst v63  }
0x2d: {  	_ =	swait.ge [sflag:s13], $0x2000  }
0x2e: {  	[sflag:s13] =	ssyncset.done $0x0  }
0x2f: {  	[sflag:s13] =	ssyncadd.s32 $0xFFFFE000  }
0x30: {  	_ =	swait.ge [sflag:s13], $0x2000  }
0x31: {  	[sflag:s13] =	ssyncset.done $0x0  }
0x32: {  	[sflag:s13] =	ssyncadd.s32 $0xFFFFE000  }
0x33: {  	_ =	swait.ge [sflag:s13], $0x2000  }
0x34: {  	[sflag:s13] =	ssyncset.done $0x0  }
0x35: {  	[sflag:s13] =	ssyncadd.s32 $0xFFFFE000  }
0x36: {  	_ =	swait.ge [sflag:s13], $0x2000  }
.Ltmp1:
0x37: {  	[sflag:s13] =	ssyncset.done $0x0;
	(pc) =	sbr.rel @p0 .LBB2_1-.Ltmp1, $4  }
0x38: {  	[sflag:s13] =	ssyncadd.s32 $0xFFFFE000  }
0x39: {  	[hbm4b:s14+s2] =	stream.linear.scatter [tilespmem:s7], [sflag:$0x2], $0x8000, $0x38;
	[tilespmem:$0x8200] =	vst v63  }
0x3a: {  	_ =	swait.ge [sflag:s3], $0x8000  }
0x3b: {  	[sflag:s3] =	ssyncset.done $0x0  }
.LBB2_2:
0x3c: {  	[sflag:s3] =	ssyncadd.s32 $0xFFFF8000  }
0x3d: {  	_ =	sfence.sel $0x180000  }
0x3e: {  	[bflag:$0x0] =	sbarrier.arrive $0xFFFF  }
0x3f: {  	p0 =	sne.s32 s0, $0x0;
	_ =	strace $0x90000047  }
0x40: {  	s0 =	sadd.s32 @!p0 $0x100000, s1;
	[bflag:$0x2] =	sbarrier.arrive $0xFFFF  }
0x41: {  	[sflag:s0] =	ssyncadd.tile.s32 @!p0 $0x1;
	_ =	shalt  }
.Lfunc_end2:
_tile_overlayer_lowered:
.L_overlay_start_2:
0x42: {  	(tag) =	ssettag $0x2  }
0x43: {  	s0 =	rddreg [dreg:$0x0];
	s2 =	stileid.u32  }
0x44: {  	s1 =	rddreg [dreg:$0x1];
	p0 =	sne.s32 s2, $0x0  }
0x45: {  	s3 =	rddreg [dreg:$0x2];
	[bflag:$0x3] =	sbarrier.arrive $0xFFFF;
	s2 =	simm.s32 @!p0 $0x1C02  }
0x46: {  	[timem:s3], [sflag:s2] =	dma.local @!p0 [hbm:s0], s1  }
0x47: {  	s0 =	simm.s32 @!p0 $0x2  }
0x48: {  	_ =	swait.ge @!p0 [sflag:s0], s1  }
0x49: {  	s1 =	ssub.s32 @!p0 $0x0, s1;
	[sflag:s0] =	ssyncset.done @!p0 $0x0  }
0x4a: {  	[sflag:s0] =	ssyncadd.s32 @!p0 s1  }
0x4b: {  	[bflag:$0x3] =	sbarrier.arrive $0xFFFF  }
0x4c: {  	_ =	shalt  }

</sc_bundles>
